<compile_context>
chip_gen: v7x
topology: tpu7x:2x2x1
jax: 0.10.2.dev20260603
libtpu: 0.0.44.dev20260713+nightly
codegen_flags: <defaults>
</compile_context>

<pallas_src>
import jax
import jax.numpy as jnp
from jax import lax
from jax.experimental import pallas as pl
from jax.experimental.pallas import tpu as pltpu
from jax.experimental.pallas import tpu_sc as plsc

N_ATOMS = 100000
LANES = 16
NUM_WORKERS = 32
CHUNK = 3200
LAST_BASE = N_ATOMS - CHUNK
UNROLL = 4
N_TAB = 86


def _tec_body(z_hbm, ptab_hbm, gtab_hbm, outp_hbm, outg_hbm,
              zv, ptab, gtab, outp, outg, sem_in, sem_out):
    wid = lax.axis_index("s") * 2 + lax.axis_index("c")
    base = jnp.minimum(wid * CHUNK, LAST_BASE)
    cp_p = pltpu.async_copy(ptab_hbm, ptab, sem_in)
    cp_g = pltpu.async_copy(gtab_hbm, gtab, sem_in)
    cp_z = pltpu.async_copy(z_hbm.at[pl.ds(base, CHUNK)], zv, sem_in)
    cp_p.wait()
    cp_g.wait()
    cp_z.wait()

    @plsc.parallel_loop(0, CHUNK // LANES, unroll=UNROLL)
    def _step(i):
        sl = pl.ds(i * LANES, LANES)
        idx = zv[sl]
        outp[sl] = plsc.load_gather(ptab, [idx])
        outg[sl] = plsc.load_gather(gtab, [idx])

    cp_op = pltpu.async_copy(outp, outp_hbm.at[pl.ds(base, CHUNK)], sem_out)
    cp_og = pltpu.async_copy(outg, outg_hbm.at[pl.ds(base, CHUNK)], sem_out)
    cp_op.wait()
    cp_og.wait()


_mesh = plsc.VectorSubcoreMesh(
    core_axis_name="c", subcore_axis_name="s", num_cores=2, num_subcores=16)

_sc_call = pl.kernel(
    _tec_body,
    out_type=(
        jax.ShapeDtypeStruct((N_ATOMS,), jnp.int32),
        jax.ShapeDtypeStruct((N_ATOMS,), jnp.int32),
    ),
    mesh=_mesh,
    scratch_types=[
        pltpu.VMEM((CHUNK,), jnp.int32),
        pltpu.VMEM((N_TAB,), jnp.int32),
        pltpu.VMEM((N_TAB,), jnp.int32),
        pltpu.VMEM((CHUNK,), jnp.int32),
        pltpu.VMEM((CHUNK,), jnp.int32),
        pltpu.SemaphoreType.DMA,
        pltpu.SemaphoreType.DMA,
    ],
    compiler_params=pltpu.CompilerParams(needs_layout_passes=False),
)


def kernel(z, period_mapping, group_mapping):
    return _sc_call(z, period_mapping, group_mapping)

# --- scband reference (transcript-rebuilt; emitter-appended) ---
"""Pipeline reference for scband-phys-ref-37391985279595 (READ-ONLY COPY).

The authoritative reference and input builder live on the scoring server;
editing this copy changes nothing except your own understanding.
"""

import jax, jax.numpy as jnp
import numpy as np

N_ELEMENTS = 85
N_ATOMS = 100000


def setup_inputs(seed: int = 0) -> dict:
    key = jax.random.key(seed)
    kz = jax.random.fold_in(key, 0)
    kp = jax.random.fold_in(key, 1)
    kg = jax.random.fold_in(key, 2)
    # atomic numbers z in [0, n_elements]; index 0 is the padding/dummy row
    z = jax.random.randint(kz, (N_ATOMS,), 0, N_ELEMENTS + 1)
    # period_mapping: buffer of shape [n_elements+1]; torch code prepends a 1 for index 0,
    # then period ids (1..7) from the mendeleev table. We synthesize the table values.
    period_mapping = jnp.concatenate([
        jnp.ones((1,), dtype=jnp.int32),
        jax.random.randint(kp, (N_ELEMENTS,), 1, 8),
    ]).astype(jnp.int32)
    # group_mapping: group ids 1..19 (NaN groups filled with 19.0 in torch code)
    group_mapping = jnp.concatenate([
        jnp.ones((1,), dtype=jnp.int32),
        jax.random.randint(kg, (N_ELEMENTS,), 1, 20),
    ]).astype(jnp.int32)
    return {"z": z, "period_mapping": period_mapping, "group_mapping": group_mapping}


def reference(z, period_mapping, group_mapping):
    # PhysRef.period_and_group(z): two table gathers indexed by atomic number
    period = jnp.take(period_mapping, z, axis=0)
    group = jnp.take(group_mapping, z, axis=0)
    return (period, group)

if __name__ == "__main__":
    import jax
    _d = setup_inputs()
    print(jax.jit(kernel)(*tuple(_d.values())))

</pallas_src>

<mosaic_0001>
#map = affine_map<(d0, d1) -> (0)>
module attributes {stable_mosaic.version = 14 : i64} {
  func.func @_tec_body(%arg0: i32, %arg1: i32, %arg2: memref<100000xi32, #tpu.memory_space<hbm>>, %arg3: memref<86xi32, #tpu.memory_space<hbm>>, %arg4: memref<86xi32, #tpu.memory_space<hbm>>, %arg5: memref<100000xi32, #tpu.memory_space<hbm>>, %arg6: memref<100000xi32, #tpu.memory_space<hbm>>, %arg7: memref<3200xi32, #tpu.memory_space<vmem>>, %arg8: memref<86xi32, #tpu.memory_space<vmem>>, %arg9: memref<86xi32, #tpu.memory_space<vmem>>, %arg10: memref<3200xi32, #tpu.memory_space<vmem>>, %arg11: memref<3200xi32, #tpu.memory_space<vmem>>, %arg12: memref<!tpu.dma_semaphore, #tpu.memory_space<semaphore_mem>>, %arg13: memref<!tpu.dma_semaphore, #tpu.memory_space<semaphore_mem>>) attributes {dimension_semantics = [#tpu.dimension_semantics<core_parallel>, #tpu.dimension_semantics<subcore_parallel>], iteration_bounds = array<i64: 2, 16>, scalar_prefetch = 0 : i64, scratch_operands = 7 : i64, tpu.core_type = #tpu.core_type<sc_vector_subcore>, window_params = [{transform_indices = #map}, {transform_indices = #map}, {transform_indices = #map}, {transform_indices = #map}, {transform_indices = #map}]} {
    %mul3A = arith.constant 2 : i32
    %mul3A_0 = arith.muli %arg1, %mul3A : i32
    %add3A = arith.addi %mul3A_0, %arg0 : i32
    %mul3A_1 = arith.constant 3200 : i32
    %mul3A_2 = arith.muli %add3A, %mul3A_1 : i32
    %min3A = arith.constant 96800 : i32
    %min3A_3 = arith.minsi %mul3A_2, %min3A : i32
    tpu.enqueue_dma source(%arg3 : memref<86xi32, #tpu.memory_space<hbm>>) target(%arg8 : memref<86xi32, #tpu.memory_space<vmem>>) target_semaphore(%arg12 : memref<!tpu.dma_semaphore, #tpu.memory_space<semaphore_mem>>)
    tpu.enqueue_dma source(%arg4 : memref<86xi32, #tpu.memory_space<hbm>>) target(%arg9 : memref<86xi32, #tpu.memory_space<vmem>>) target_semaphore(%arg12 : memref<!tpu.dma_semaphore, #tpu.memory_space<semaphore_mem>>)
    %dma_start3A = tpu.memref_slice %arg2[%min3A_3] : memref<100000xi32, #tpu.memory_space<hbm>> -> memref<3200xi32, #tpu.memory_space<hbm>>
    %dma_start3A_4 = tpu.memref_slice %arg2[%min3A_3] : memref<100000xi32, #tpu.memory_space<hbm>> -> memref<3200xi32, #tpu.memory_space<hbm>>
    tpu.enqueue_dma source(%dma_start3A_4 : memref<3200xi32, #tpu.memory_space<hbm>>) target(%arg7 : memref<3200xi32, #tpu.memory_space<vmem>>) target_semaphore(%arg12 : memref<!tpu.dma_semaphore, #tpu.memory_space<semaphore_mem>>)
    tpu.wait_dma2 semaphore(%arg12 : memref<!tpu.dma_semaphore, #tpu.memory_space<semaphore_mem>>) src(%arg3 : memref<86xi32, #tpu.memory_space<hbm>>) dst(%arg8 : memref<86xi32, #tpu.memory_space<vmem>>)
    tpu.wait_dma2 semaphore(%arg12 : memref<!tpu.dma_semaphore, #tpu.memory_space<semaphore_mem>>) src(%arg4 : memref<86xi32, #tpu.memory_space<hbm>>) dst(%arg9 : memref<86xi32, #tpu.memory_space<vmem>>)
    %dma_wait3A = tpu.memref_slice %arg2[%min3A_3] : memref<100000xi32, #tpu.memory_space<hbm>> -> memref<3200xi32, #tpu.memory_space<hbm>>
    %dma_wait3A_5 = tpu.memref_slice %arg2[%min3A_3] : memref<100000xi32, #tpu.memory_space<hbm>> -> memref<3200xi32, #tpu.memory_space<hbm>>
    tpu.wait_dma2 semaphore(%arg12 : memref<!tpu.dma_semaphore, #tpu.memory_space<semaphore_mem>>) src(%dma_wait3A_5 : memref<3200xi32, #tpu.memory_space<hbm>>) dst(%arg7 : memref<3200xi32, #tpu.memory_space<vmem>>)
    %parallel_loop3A = arith.constant 0 : i32
    %parallel_loop3A_6 = arith.constant 200 : i32
    %parallel_loop3A_7 = arith.constant 1 : i32
    scf.for %parallel_loop3A_16 = %parallel_loop3A to %parallel_loop3A_6 step %parallel_loop3A_7  : i32 {
      %parallel_loop3A_17 = arith.constant 16 : i32
      %parallel_loop3A_18 = arith.muli %parallel_loop3A_16, %parallel_loop3A_17 : i32
      %parallel_loop3A_19 = arith.index_cast %parallel_loop3A_18 : i32 to index
      %parallel_loop3A_20 = tpu.vector_load %arg7[%parallel_loop3A_19] {strides = array<i32>} : memref<3200xi32, #tpu.memory_space<vmem>>, vector<16xi32>,
      %parallel_loop3A_21 = tpu.vector_load_idx %arg8[%parallel_loop3A_20] : memref<86xi32, #tpu.memory_space<vmem>>[vector<16xi32>], vector<16xi32>,
      %parallel_loop3A_22 = arith.index_cast %parallel_loop3A_18 : i32 to index
      %parallel_loop3A_23 = tpu.vector_load %arg10[%parallel_loop3A_22] {strides = array<i32>} : memref<3200xi32, #tpu.memory_space<vmem>>, vector<16xi32>,
      tpu.vector_store %arg10[%parallel_loop3A_22], %parallel_loop3A_21 {strides = array<i32>} : memref<3200xi32, #tpu.memory_space<vmem>>, vector<16xi32>,
      %parallel_loop3A_24 = tpu.vector_load_idx %arg9[%parallel_loop3A_20] : memref<86xi32, #tpu.memory_space<vmem>>[vector<16xi32>], vector<16xi32>,
      %parallel_loop3A_25 = arith.index_cast %parallel_loop3A_18 : i32 to index
      %parallel_loop3A_26 = tpu.vector_load %arg11[%parallel_loop3A_25] {strides = array<i32>} : memref<3200xi32, #tpu.memory_space<vmem>>, vector<16xi32>,
      tpu.vector_store %arg11[%parallel_loop3A_25], %parallel_loop3A_24 {strides = array<i32>} : memref<3200xi32, #tpu.memory_space<vmem>>, vector<16xi32>,
    } {sc.loop_unroll_factor = 4 : i64, sc.parallel_access}
    %dma_start3A_8 = tpu.memref_slice %arg5[%min3A_3] : memref<100000xi32, #tpu.memory_space<hbm>> -> memref<3200xi32, #tpu.memory_space<hbm>>
    %dma_start3A_9 = tpu.memref_slice %arg5[%min3A_3] : memref<100000xi32, #tpu.memory_space<hbm>> -> memref<3200xi32, #tpu.memory_space<hbm>>
    tpu.enqueue_dma source(%arg10 : memref<3200xi32, #tpu.memory_space<vmem>>) target(%dma_start3A_9 : memref<3200xi32, #tpu.memory_space<hbm>>) target_semaphore(%arg13 : memref<!tpu.dma_semaphore, #tpu.memory_space<semaphore_mem>>)
    %dma_start3A_10 = tpu.memref_slice %arg6[%min3A_3] : memref<100000xi32, #tpu.memory_space<hbm>> -> memref<3200xi32, #tpu.memory_space<hbm>>
    %dma_start3A_11 = tpu.memref_slice %arg6[%min3A_3] : memref<100000xi32, #tpu.memory_space<hbm>> -> memref<3200xi32, #tpu.memory_space<hbm>>
    tpu.enqueue_dma source(%arg11 : memref<3200xi32, #tpu.memory_space<vmem>>) target(%dma_start3A_11 : memref<3200xi32, #tpu.memory_space<hbm>>) target_semaphore(%arg13 : memref<!tpu.dma_semaphore, #tpu.memory_space<semaphore_mem>>)
    %dma_wait3A_12 = tpu.memref_slice %arg5[%min3A_3] : memref<100000xi32, #tpu.memory_space<hbm>> -> memref<3200xi32, #tpu.memory_space<hbm>>
    %dma_wait3A_13 = tpu.memref_slice %arg5[%min3A_3] : memref<100000xi32, #tpu.memory_space<hbm>> -> memref<3200xi32, #tpu.memory_space<hbm>>
    tpu.wait_dma2 semaphore(%arg13 : memref<!tpu.dma_semaphore, #tpu.memory_space<semaphore_mem>>) src(%arg10 : memref<3200xi32, #tpu.memory_space<vmem>>) dst(%dma_wait3A_13 : memref<3200xi32, #tpu.memory_space<hbm>>)
    %dma_wait3A_14 = tpu.memref_slice %arg6[%min3A_3] : memref<100000xi32, #tpu.memory_space<hbm>> -> memref<3200xi32, #tpu.memory_space<hbm>>
    %dma_wait3A_15 = tpu.memref_slice %arg6[%min3A_3] : memref<100000xi32, #tpu.memory_space<hbm>> -> memref<3200xi32, #tpu.memory_space<hbm>>
    tpu.wait_dma2 semaphore(%arg13 : memref<!tpu.dma_semaphore, #tpu.memory_space<semaphore_mem>>) src(%arg11 : memref<3200xi32, #tpu.memory_space<vmem>>) dst(%dma_wait3A_15 : memref<3200xi32, #tpu.memory_space<hbm>>)
    return
  }
}

</mosaic_0001>

<sc_bundles>
// kernel: kernel.3.cloned.1.call-start
scs
__scs_entry_jumppad:
0x0: {  	(pc) =	sbr.rel $0x88, $3  }
0x1: {  	(tag) =	ssettag $0x0;
	lr =	simm.s32 $0x1  }
0x2: {  	[smem:$0x3F9E] =	sst lr;
	_ =	strace $0xD0000000  }
0x3: {  	_ = 	snop  }
0x4: {  	_ = 	snop  }
0x5: {  	_ = 	snop  }
0x6: {  	_ = 	snop  }
0x7: {  	_ = 	snop  }
__scs_overlays_trampoline_lowered:
0x8: {  	[smem:$0x3FAD] =	sst s0  }
0x9: {  	[smem:$0x3FAE] =	sst s1  }
0xa: {  	[smem:$0x3FAF] =	sst s2  }
0xb: {  	[smem:$0x3FB0] =	sst s3  }
0xc: {  	[smem:$0x3FB1] =	sst s4  }
0xd: {  	[smem:$0x3FB2] =	sst s5  }
0xe: {  	[smem:$0x3FB3] =	sst s6  }
0xf: {  	[smem:$0x3FB4] =	sst s7  }
0x10: {  	[smem:$0x3FB5] =	sst s8  }
0x11: {  	[smem:$0x3FB6] =	sst s9;
	s0 =	simm.s32 @!p0 $0x0  }
0x12: {  	s1 =	sld [smem:$0x3F9C];
	s0 =	simm.s32 @p0 $0x1  }
0x13: {  	[smem:$0x3FB7] =	sst s0;
	s0 =	simm.s32 @!p1 $0x0  }
0x14: {  	s2 =	sld [smem:$0x3F9B];
	s0 =	simm.s32 @p1 $0x1  }
0x15: {  	[smem:$0x3FB8] =	sst s0;
	s0 =	simm.s32 @!p2 $0x0  }
0x16: {  	s3 =	sld [smem:$0x3FDB];
	s0 =	simm.s32 @p2 $0x1  }
0x17: {  	s4 =	simm.s32 $0x1BF5;
	[smem:$0x3FBA] =	sst s0  }
0x18: {  	s0 =	sld [smem:$0x3F9D];
	_ =	swait.ge [sflag:s4], $0x0  }
0x19: {  	s7 =	sld [smem:$0x3F9E]  }
0x1a: {  	s8 =	sadd.s32 $0xFFFFE003, lr  }
0x1b: {  	s9 =	sadd.s32 $0xFFFFFEF7, lr;
	s5 =	simm.s32 $0xFFFFFFFF;
	p2 =	slt.u32 s8, $0xFFFFF086  }
0x1c: {  	p1 =	slt.u32 s9, $0xF7A;
	s5 =	simm.s32 @!p2 $0x0  }
0x1d: {  	s5 =	simm.s32 @p1 $0x1;
	p0 =	seq.s32 s7, s2  }
0x1e: {  	s7 =	smul.u32 @!p0 $0xF7A, s2;
	p2 =	seq.s32 @!p0 s5, $0x0  }
0x1f: {  	s9 =	smul.u32 $0xF7A, s1;
	s8 =	simm.s32 @!p0 $0x1BF5;
	p2 =	por !p2, p0  }
0x20: {  	[sflag:s8] =	ssyncset.s32 @!p0 $0xFFFFF086;
	s6 =	sadd.s32 @!p0 s3, s7;
	s7 =	simm.s32 @!p0 $0x108  }
0x21: {  	s3 =	sadd.s32 s3, s9;
	s6 =	sadd.s32 @!p0 $0x88, s6;
	s7 =	simm.s32 @p2 $0x1082  }
0x22: {  	[simem:s7], [sflag:s8] =	dma.local @!p0 [hbm:s6], $0xF7A  }
0x23: {  	s9 =	sor.u32 $0xD0000000, s2;
	s6 =	simm.s32 $0x108;
	_ =	swait.ge @!p0 [sflag:s8], $0x0  }
0x24: {  	s3 =	sadd.s32 $0x88, s3;
	s6 =	simm.s32 @!p1 $0x1082;
	[sflag:s4] =	ssyncset.s32 $0xFFFFF086  }
0x25: {  	[simem:s6], [sflag:s4] =	dma.local [hbm:s3], $0xF7A  }
0x26: {  	[smem:$0x3F9E] =	sst s1;
	(tag) =	ssettag s2;
	_ =	strace s9  }
0x27: {  	s1 =	sld [smem:$0x3FAE]  }
0x28: {  	s2 =	sld [smem:$0x3FAF]  }
0x29: {  	s4 =	sld [smem:$0x3FB1]  }
0x2a: {  	p0 =	seq.s32 s5, $0x0;
	s5 =	sld [smem:$0x3FB2]  }
0x2b: {  	s6 =	sld [smem:$0x3FB3]  }
0x2c: {  	s7 =	sld [smem:$0x3FB4]  }
0x2d: {  	s3 =	simm.s32 $0x108;
	s8 =	sld [smem:$0x3FB5]  }
0x2e: {  	s3 =	simm.s32 @!p0 $0x1082;
	s9 =	sld [smem:$0x3FB6]  }
0x2f: {  	lr =	sadd.s32 s0, s3;
	s0 =	sld [smem:$0x3FAD]  }
0x30: {  	s3 =	sld [smem:$0x3FB0]  }
0x31: {  	[smem:$0x3FB9] =	sst s10  }
0x32: {  	s10 =	sld [smem:$0x3FB7];
	_ =	sdelay $0x3  }
0x33: {  	p0 =	seq.s32 s10, $0x1;
	s10 =	sld [smem:$0x3FB9];
	_ =	sdelay $0x3  }
0x34: {  	[smem:$0x3FB9] =	sst s10  }
0x35: {  	s10 =	sld [smem:$0x3FB8];
	_ =	sdelay $0x3  }
0x36: {  	p1 =	seq.s32 s10, $0x1;
	s10 =	sld [smem:$0x3FB9];
	_ =	sdelay $0x3  }
0x37: {  	[smem:$0x3FB9] =	sst s10  }
0x38: {  	s10 =	sld [smem:$0x3FBA]  }
0x39: {  	_ = 	snop;
	(pc) =	sbr.ind lr, $3  }
0x3a: {  	_ = 	snop  }
0x3b: {  	_ = 	snop  }
0x3c: {  	p2 =	seq.s32 s10, $0x1;
	s10 =	sld [smem:$0x3FB9]  }
0x3d: {  	_ =	shalt  }
0x3e: {  	_ =	shalt  }
0x3f: {  	_ =	shalt  }
0x40: {  	_ =	shalt  }
0x41: {  	_ =	shalt  }
0x42: {  	_ =	shalt  }
0x43: {  	_ =	shalt  }
0x44: {  	_ =	shalt  }
0x45: {  	_ =	shalt  }
0x46: {  	_ =	shalt  }
0x47: {  	_ =	shalt  }
0x48: {  	_ =	shalt  }
0x49: {  	_ =	shalt  }
0x4a: {  	_ =	shalt  }
0x4b: {  	_ =	shalt  }
0x4c: {  	_ =	shalt  }
0x4d: {  	_ =	shalt  }
0x4e: {  	_ =	shalt  }
0x4f: {  	_ =	shalt  }
0x50: {  	_ =	shalt  }
0x51: {  	_ =	shalt  }
0x52: {  	_ =	shalt  }
0x53: {  	_ =	shalt  }
0x54: {  	_ =	shalt  }
0x55: {  	_ =	shalt  }
0x56: {  	_ =	shalt  }
0x57: {  	_ =	shalt  }
0x58: {  	_ =	shalt  }
0x59: {  	_ =	shalt  }
0x5a: {  	_ =	shalt  }
0x5b: {  	_ =	shalt  }
0x5c: {  	_ =	shalt  }
0x5d: {  	_ =	shalt  }
0x5e: {  	_ =	shalt  }
0x5f: {  	_ =	shalt  }
0x60: {  	_ =	shalt  }
0x61: {  	_ =	shalt  }
0x62: {  	_ =	shalt  }
0x63: {  	_ =	shalt  }
0x64: {  	_ =	shalt  }
0x65: {  	_ =	shalt  }
0x66: {  	_ =	shalt  }
0x67: {  	_ =	shalt  }
0x68: {  	_ =	shalt  }
0x69: {  	_ =	shalt  }
0x6a: {  	_ =	shalt  }
0x6b: {  	_ =	shalt  }
0x6c: {  	_ =	shalt  }
0x6d: {  	_ =	shalt  }
0x6e: {  	_ =	shalt  }
0x6f: {  	_ =	shalt  }
0x70: {  	_ =	shalt  }
0x71: {  	_ =	shalt  }
0x72: {  	_ =	shalt  }
0x73: {  	_ =	shalt  }
0x74: {  	_ =	shalt  }
0x75: {  	_ =	shalt  }
0x76: {  	_ =	shalt  }
0x77: {  	_ =	shalt  }
0x78: {  	_ =	shalt  }
0x79: {  	_ =	shalt  }
0x7a: {  	_ =	shalt  }
0x7b: {  	_ =	shalt  }
0x7c: {  	_ =	shalt  }
0x7d: {  	_ =	shalt  }
0x7e: {  	_ =	shalt  }
0x7f: {  	_ =	shalt  }
0x80: {  	_ =	shalt  }
0x81: {  	_ =	shalt  }
0x82: {  	_ =	shalt  }
0x83: {  	_ =	shalt  }
0x84: {  	_ =	shalt  }
0x85: {  	_ =	shalt  }
0x86: {  	_ =	shalt  }
0x87: {  	_ =	shalt  }
.Lfunc_end0:
.L_simem_size_0:
called_computation_lowered:
.L_overlay_start_0:
0x88: {  	s2 =	sld [smem:$0x3FD9]  }
0x89: {  	s3 =	sld [smem:$0x3FFE];
	_ =	sdelay $0x1  }
0x8a: {  	s1 =	srdreg.scid  }
0x8b: {  	s0 =	sand.u32 $0x1, s1  }
0x8c: {  	s15 =	sshll.u32 s0, $0xA;
	s2 =	sadd.s32 s3, s2  }
0x8d: {  	s2 =	sadd.s32 s2, s15  }
0x8e: {  	[smem:$0x3FC5] =	sst s2  }
0x8f: {  	_ = 	snop  }
0x90: {  	s2 =	sld [smem:$0x3FD0]  }
0x91: {  	s16 =	sld [smem:$0x3FC9]  }
0x92: {  	s4 =	sld [smem:$0x3FC8]  }
0x93: {  	s6 =	simm.s32 $0xA;
	s7 =	simm.s32 $0x10;
	s5 =	sld [smem:$0x3FC7]  }
0x94: {  	[smem:s7], [sflag:s6] =	dma.local [hbm:s2], $0x1  }
0x95: {  	_ =	swait.eq [sflag:s6], $0x1  }
0x96: {  	[sflag:s6] =	ssyncset.done $0x0  }
0x97: {  	s17 =	sld [smem:$0x10];
	[sflag:s6] =	ssyncadd.s32 $0xFFFFFFFF  }
0x98: {  	s18 =	sld [smem:$0x11];
	(tm) =	ssettm $0x1  }
0x99: {  	s19 =	sld [smem:$0x3FFB];
	_ =	sdelay $0x3  }
0x9a: {  	_ =	strace s19  }
0x9b: {  	s7 =	sld [smem:$0x3FFC];
	_ =	sdelay $0x3  }
0x9c: {  	_ =	strace s7  }
0x9d: {  	s7 =	sld [smem:$0x3FFD];
	_ =	sdelay $0x3  }
0x9e: {  	_ =	strace s7  }
0x9f: {  	_ =	strace $0x8FFFFFFF  }
0xa0: {  	s20 =	sld [smem:$0x3FDB];
	_ =	sdelay $0x1  }
0xa1: {  	s8 =	simm.s32 $_scs_section_size  }
0xa2: {  	s9 =	simm.s32 $_size__tile_overlayer_lowered;
	s10 =	simm.s32 $_tile_overlayer_lowered  }
0xa3: {  	s23 =	simm.s32 $0x1BFF;
	s22 =	sshll.u32 s10, $0x1;
	s7 =	sadd.s32 s8, s20  }
0xa4: {  	s11 =	simm.s32 $0x0;
	s21 =	sshll.u32 s9, $0x1;
	s9 =	sadd.s32 s22, s7  }
0xa5: {  	[timem:s11], [sflag:s23] =	dma.local [hbm:s9], s21  }
0xa6: {  	_ =	swait.ge [sflag:s23], s21  }
0xa7: {  	s8 =	ssub.s32 $0x0, s21;
	[sflag:s23] =	ssyncset.done $0x0  }
0xa8: {  	[sflag:s23] =	ssyncadd.s32 s8;
	_ =	sdelay $0x1  }
0xa9: {  	s24 =	simm.s32 $0x1B8B  }
0xaa: {  	_ =	swait.ge [sflag:s24], $0x1  }
0xab: {  	[sflag:s24] =	ssyncset.done $0x0  }
0xac: {  	s25 =	simm.s32 $0x1B8E;
	[sflag:s24] =	ssyncadd.s32 $0xFFFFFFFF  }
0xad: {  	s26 =	simm.s32 $execute0_lowered;
	[smem:$0x3FD2] =	sst s25  }
0xae: {  	s8 =	sshll.u32 s26, $0x1;
	_ =	strace $0x80000046;
	[dreg:$0x1] =	wrdreg $0xFFFFFFFF  }
0xaf: {  	s28 =	simm.s32 $_size_execute0_lowered;
	s7 =	sadd.s32 s7, s8;
	[dreg:$0x0] =	wrdreg $0x0  }
0xb0: {  	s8 =	sshll.u32 s28, $0x1;
	[dreg:$0x2] =	wrdreg s7  }
0xb1: {  	[dreg:$0x3] =	wrdreg s8  }
0xb2: {  	[dreg:$0x4] =	wrdreg $0xC0  }
0xb3: {  	_ =	task [dreg:s11], $0x5FFFF  }
0xb4: {  	[dreg:$0x1] =	wrdreg $0xFFFFFFFF  }
0xb5: {  	[dreg:$0x0] =	wrdreg $0x60  }
0xb6: {  	[dreg:$0x2] =	wrdreg s16  }
0xb7: {  	[dreg:$0x3] =	wrdreg s4  }
0xb8: {  	[dreg:$0x4] =	wrdreg s5  }
0xb9: {  	[dreg:$0x5] =	wrdreg s17  }
0xba: {  	[dreg:$0x6] =	wrdreg s18  }
0xbb: {  	[dreg:$0x7] =	wrdreg $0x9  }
0xbc: {  	_ =	task.clear_ibuf [dreg:s11], $0x8FFFF;
	_ =	strace $0x90000046  }
0xbd: {  	s29 =	simm.s32 $0x9;
	_ =	strace $0x80000048  }
0xbe: {  	_ =	swait.ge [sflag:s29], $0x1  }
0xbf: {  	[sflag:s29] =	ssyncadd.s32 $0xFFFFFFFF  }
0xc0: {  	_ =	strace $0x90000048  }
0xc1: {  	_ =	sfence  }
0xc2: {  	s30 =	sld [smem:$0x0];
	_ =	sdelay $0x2  }
0xc3: {  	s31 =	sshll.u32 s1, $0xD;
	s1 =	sshrl.u32 s1, $0x2  }
0xc4: {  	s3 =	sand.u32 $0x4000, s31;
	s1 =	sadd.s32 s1, s30  }
0xc5: {  	s0 =	sor.u32 s3, s0;
	s1 =	sshll.u32 s1, $0x11  }
0xc6: {  	s0 =	sor.u32 s1, s0  }
0xc7: {  	s0 =	sadd.s32 $0x8F2B, s0  }
0xc8: {  	[sflag:s0] =	ssyncadd.remote.s32 $0x1  }
0xc9: {  	_ =	sfence.sel $0xFFFF  }
0xca: {  	[dreg:$0x0] =	wrdreg $0xFFFFFFFF;
	(pc) =	sbr.abs _section_cstart, $3  }
0xcb: {  	[dreg:$0x1] =	wrdreg $0xFFFFFFFF  }
0xcc: {  	_ =	task.clear_ibuf [dreg:s11], $0x2FFFF;
	_ =	strace $0x9FFFFFFF  }
0xcd: {  	(tm) =	ssettm $0x7FFFFFFF  }
tec
execute0_lowered:
.L_overlay_start_1:
0x0: {  	(tag) =	ssettag $0x1  }
0x1: {  	s5 =	rddreg [dreg:$0x0]  }
0x2: {  	s1 =	rddreg [dreg:$0x1]  }
0x3: {  	s2 =	rddreg [dreg:$0x2]  }
0x4: {  	s3 =	srdreg.scid;
	s7 =	rddreg [dreg:$0x3]  }
0x5: {  	s0 =	stileid.u32;
	s8 =	rddreg [dreg:$0x4]  }
0x6: {  	s4 =	simm.s32 $0x0;
	s6 =	sand.u32 $0x1, s3;
	s31 =	sshll.u32 s0, $0x1  }
0x7: {  	s11 =	simm.s32 $0x1;
	s12 =	simm.s32 $0xD80;
	s3 =	sor.u32 s6, s31  }
0x8: {  	s13 =	simm.s32 $0x1A00;
	s14 =	simm.s32 $0x2;
	s9 =	smul.u32 $0xC80, s3  }
0x9: {  	s15 =	simm.s32 $0x0;
	[smem:$0x7FF] =	sst s4;
	s6 =	ssub.s32 $0x2, s6  }
0xa: {  	s3 =	rddreg [dreg:$0x5];
	s10 =	sshrl.u32 s6, $0x1;
	s9 =	smin.u32 s9, $0x17A20  }
0xb: {  	_ =	strace $0x80000047;
	s10 =	ssub.s32 s6, s10;
	s9 =	sshrl.u32 s9, $0x3  }
0xc: {  	s5 =	sadd.s32 s5, s9;
	s6 =	sadd.s32 s7, s9;
	s7 =	sadd.s32 s8, s9  }
0xd: {  	s8 =	smax.u32 s10, $0x1;
	s9 =	simm.s32 $0xC80;
	s10 =	simm.s32 $0xD00  }
.LBB2_1:
0xe: {  	[tilespmem:s9], [sflag:$0x1] =	stream.linear.gather [hbm4b:s1+s4], $0x80, $0x38;
	[tilespmem:$0x2680] =	vst v63  }
0xf: {  	_ = 	snop  }
0x10: {  	[tilespmem:s10], [sflag:$0x1] =	stream.linear.gather [hbm4b:s2+s4], $0x80, $0x38;
	[tilespmem:$0x2680] =	vst v63  }
0x11: {  	_ = 	snop  }
0x12: {  	[tilespmem:s4], [sflag:$0x1] =	stream.linear.gather [hbm4b:s5+s4], $0xC80, $0x38;
	[tilespmem:$0x2680] =	vst v63  }
0x13: {  	_ =	swait.ge [sflag:s11], $0x80  }
0x14: {  	[sflag:s11] =	ssyncset.done $0x0  }
0x15: {  	[sflag:s11] =	ssyncadd.s32 $0xFFFFFF80  }
0x16: {  	_ =	swait.ge [sflag:s11], $0x80  }
0x17: {  	[sflag:s11] =	ssyncset.done $0x0  }
0x18: {  	[sflag:s11] =	ssyncadd.s32 $0xFFFFFF80  }
0x19: {  	_ =	swait.ge [sflag:s11], $0xC80  }
0x1a: {  	[sflag:s11] =	ssyncset.done $0x0  }
0x1b: {  	s16 =	simm.s32 $0x20;
	[sflag:s11] =	ssyncadd.s32 $0xFFFFF380  }
0x1c: {  	v1 =	vld [tilespmem:s16+$0xFFFFFFF0]  }
0x1d: {  	v2 =	vld [tilespmem:s16+$0x0]  }
0x1e: {  	v0 =	vld [tilespmem:s16+$0x10]  }
0x1f: {  	s31 =	simm.s32 $0x60;
	v5 =	vld [tilespmem:s16+$0xFFFFFFE0]  }
0x20: {  	v7 =	vld [tilespmem:s31+$0xFFFFFFF0]  }
0x21: {  	v6 =	vld [tilespmem:s31+$0x10]  }
0x22: {  	v10 =	vld [tilespmem:s31+$0x0];
	_ =	sdelay $0x1  }
0x23: {  	v4 =	vld.idx.msk [tilespmem:v1+s9+$0x0], $0xffff  }
0x24: {  	v8 =	vld.idx.msk [tilespmem:v2+s9+$0x0], $0xffff  }
0x25: {  	v3 =	vld.idx.msk [tilespmem:v0+s9+$0x0], $0xffff  }
0x26: {  	v11 =	vld.idx.msk [tilespmem:v5+s9+$0x0], $0xffff  }
0x27: {  	s17 =	simm.s32 $0xDA0;
	v13 =	vld.idx.msk [tilespmem:v7+s9+$0x0], $0xffff  }
0x28: {  	[tilespmem:s17+$0xFFFFFFF0] =	vst v4;
	v4 =	vld.idx.msk [tilespmem:v6+s9+$0x0], $0xffff  }
0x29: {  	s19 =	simm.s32 $0xA0;
	[tilespmem:s17+$0x0] =	vst v8;
	v8 =	vld.idx.msk [tilespmem:v10+s9+$0x0], $0xffff  }
0x2a: {  	[tilespmem:s17+$0x10] =	vst v3;
	v3 =	vld [tilespmem:s19+$0x10]  }
0x2b: {  	v9 =	vld.idx.msk [tilespmem:v0+s10+$0x0], $0xffff  }
0x2c: {  	v0 =	vld [tilespmem:s31+$0xFFFFFFE0]  }
0x2d: {  	v12 =	vld.idx.msk [tilespmem:v1+s10+$0x0], $0xffff  }
0x2e: {  	v14 =	vld.idx.msk [tilespmem:v2+s10+$0x0], $0xffff  }
0x2f: {  	v1 =	vld [tilespmem:s19+$0xFFFFFFF0]  }
0x30: {  	s16 =	simm.s32 $0xDE0;
	v2 =	vld [tilespmem:s19+$0x0]  }
0x31: {  	[tilespmem:s16+$0x10] =	vst v4;
	v4 =	vld [tilespmem:s19+$0xFFFFFFE0]  }
0x32: {  	s18 =	simm.s32 $0x1A20;
	[tilespmem:s17+$0xFFFFFFE0] =	vst v11;
	v15 =	vld.idx.msk [tilespmem:v6+s10+$0x0], $0xffff  }
0x33: {  	[tilespmem:s18+$0x10] =	vst v9;
	v9 =	vld.idx.msk [tilespmem:v5+s10+$0x0], $0xffff  }
0x34: {  	[tilespmem:s16+$0xFFFFFFF0] =	vst v13;
	v11 =	vld.idx.msk [tilespmem:v0+s9+$0x0], $0xffff  }
0x35: {  	[tilespmem:s16+$0x0] =	vst v8;
	v5 =	vld.idx.msk [tilespmem:v7+s10+$0x0], $0xffff  }
0x36: {  	[tilespmem:s18+$0xFFFFFFF0] =	vst v12;
	v10 =	vld.idx.msk [tilespmem:v10+s10+$0x0], $0xffff  }
0x37: {  	s17 =	simm.s32 $0x1A60;
	[tilespmem:s18+$0x0] =	vst v14;
	v6 =	vld.idx.msk [tilespmem:v3+s9+$0x0], $0xffff  }
0x38: {  	v7 =	vld.idx.msk [tilespmem:v1+s9+$0x0], $0xffff;
	[tilespmem:s17+$0x10] =	vst v15  }
0x39: {  	s20 =	simm.s32 $0xE0;
	s19 =	simm.s32 $0x8;
	v8 =	vld.idx.msk [tilespmem:v2+s9+$0x0], $0xffff;
	[tilespmem:s16+$0xFFFFFFE0] =	vst v11  }
.LBB2_2:
0x3a: {  	v11 =	vld [tilespmem:s20+$0x10];
	s19 =	sadd.s32 $0x4, s19;
	[tilespmem:s18+$0xFFFFFFE0] =	vst v9;
	s18 =	smov.u32 s17  }
0x3b: {  	s16 =	sadd.s32 $0x40, s16;
	v12 =	vld [tilespmem:s20+$0xFFFFFFF0];
	p0 =	slt.u32 s19, $0xC4;
	[tilespmem:s17+$0xFFFFFFF0] =	vst v5  }
0x3c: {  	v13 =	vld [tilespmem:s20+$0x0];
	[tilespmem:s16+$0x10] =	vst v6  }
0x3d: {  	[tilespmem:s16+$0xFFFFFFF0] =	vst v7;
	v14 =	vld.idx.msk [tilespmem:v3+s10+$0x0], $0xffff  }
0x3e: {  	v15 =	vld [tilespmem:s20+$0xFFFFFFE0];
	[tilespmem:s16+$0x0] =	vst v8  }
0x3f: {  	v16 =	vld.idx.msk [tilespmem:v4+s9+$0x0], $0xffff;
	[tilespmem:s17+$0x0] =	vst v10;
	v3 =	vmov v11  }
0x40: {  	v9 =	vld.idx.msk [tilespmem:v0+s10+$0x0], $0xffff;
	v0 =	vmov v4  }
.Ltmp0:
0x41: {  	v5 =	vld.idx.msk [tilespmem:v1+s10+$0x0], $0xffff;
	v1 =	vmov v12;
	(pc) =	sbr.rel @p0 .LBB2_2-.Ltmp0, $4  }
0x42: {  	s17 =	sadd.s32 $0x40, s17;
	v6 =	vld.idx.msk [tilespmem:v11+s9+$0x0], $0xffff  }
0x43: {  	v7 =	vld.idx.msk [tilespmem:v12+s9+$0x0], $0xffff;
	[tilespmem:s17+$0x10] =	vst v14;
	v4 =	vmov v15  }
0x44: {  	v8 =	vld.idx.msk [tilespmem:v13+s9+$0x0], $0xffff  }
0x45: {  	s20 =	sadd.s32 $0x40, s20;
	[tilespmem:s16+$0xFFFFFFE0] =	vst v16;
	v10 =	vld.idx.msk [tilespmem:v2+s10+$0x0], $0xffff;
	v2 =	vmov v13  }
0x46: {  	_ =	sdelay $0x3  }
0x47: {  	[tilespmem:s18+$0xFFFFFFE0] =	vst v9;
	v62 =	vld.idx.msk [tilespmem:v4+s9+$0x0], $0xffff  }
0x48: {  	s16 =	sadd.s32 $0x40, s16;
	[tilespmem:s17+$0xFFFFFFF0] =	vst v5  }
0x49: {  	v0 =	vld.idx.msk [tilespmem:v0+s10+$0x0], $0xffff;
	[tilespmem:s16+$0x10] =	vst v6  }
0x4a: {  	v3 =	vld.idx.msk [tilespmem:v3+s10+$0x0], $0xffff;
	[tilespmem:s16+$0xFFFFFFF0] =	vst v7  }
0x4b: {  	[tilespmem:s16+$0x0] =	vst v8;
	v1 =	vld.idx.msk [tilespmem:v1+s10+$0x0], $0xffff  }
0x4c: {  	v2 =	vld.idx.msk [tilespmem:v2+s10+$0x0], $0xffff;
	[tilespmem:s16+$0xFFFFFFE0] =	vst v62  }
0x4d: {  	[tilespmem:s17+$0x0] =	vst v10;
	v63 =	vld.idx.msk [tilespmem:v4+s10+$0x0], $0xffff  }
0x4e: {  	s31 =	sadd.s32 $0x40, s17;
	[tilespmem:s17+$0xFFFFFFE0] =	vst v0  }
0x4f: {  	[tilespmem:s31+$0x10] =	vst v3  }
0x50: {  	[tilespmem:s31+$0xFFFFFFF0] =	vst v1  }
0x51: {  	[tilespmem:s31+$0x0] =	vst v2  }
0x52: {  	[tilespmem:s31+$0xFFFFFFE0] =	vst v63  }
0x53: {  	[hbm4b:s6+s4] =	stream.linear.scatter [tilespmem:s12], [sflag:$0x2], $0xC80, $0x38;
	[tilespmem:$0x2680] =	vst v63  }
0x54: {  	s15 =	sadd.s32 $0x1, s15  }
0x55: {  	[hbm4b:s7+s4] =	stream.linear.scatter [tilespmem:s13], [sflag:$0x2], $0xC80, $0x38;
	[tilespmem:$0x2680] =	vst v63  }
0x56: {  	p0 =	sne.s32 s15, s8;
	_ =	swait.ge [sflag:s14], $0xC80  }
.Ltmp1:
0x57: {  	[sflag:s14] =	ssyncset.done $0x0;
	(pc) =	sbr.rel @p0 .LBB2_1-.Ltmp1, $4  }
0x58: {  	[sflag:s14] =	ssyncadd.s32 $0xFFFFF380  }
0x59: {  	_ =	swait.ge [sflag:s14], $0xC80  }
0x5a: {  	[sflag:s14] =	ssyncset.done $0x0  }
0x5b: {  	[sflag:s14] =	ssyncadd.s32 $0xFFFFF380  }
0x5c: {  	_ =	sfence.sel $0x180000  }
0x5d: {  	[bflag:$0x0] =	sbarrier.arrive $0xFFFF  }
0x5e: {  	p0 =	sne.s32 s0, $0x0;
	_ =	strace $0x90000047  }
0x5f: {  	s0 =	sadd.s32 @!p0 $0x100000, s3;
	[bflag:$0x2] =	sbarrier.arrive $0xFFFF  }
0x60: {  	[sflag:s0] =	ssyncadd.tile.s32 @!p0 $0x1;
	_ =	shalt  }
.Lfunc_end2:
_tile_overlayer_lowered:
.L_overlay_start_2:
0x61: {  	(tag) =	ssettag $0x2  }
0x62: {  	s0 =	rddreg [dreg:$0x0];
	s2 =	stileid.u32  }
0x63: {  	s1 =	rddreg [dreg:$0x1];
	p0 =	sne.s32 s2, $0x0  }
0x64: {  	s3 =	rddreg [dreg:$0x2];
	[bflag:$0x3] =	sbarrier.arrive $0xFFFF;
	s2 =	simm.s32 @!p0 $0x1C03  }
0x65: {  	[timem:s3], [sflag:s2] =	dma.local @!p0 [hbm:s0], s1  }
0x66: {  	s0 =	simm.s32 @!p0 $0x3  }
0x67: {  	_ =	swait.ge @!p0 [sflag:s0], s1  }
0x68: {  	s1 =	ssub.s32 @!p0 $0x0, s1;
	[sflag:s0] =	ssyncset.done @!p0 $0x0  }
0x69: {  	[sflag:s0] =	ssyncadd.s32 @!p0 s1  }
0x6a: {  	[bflag:$0x3] =	sbarrier.arrive $0xFFFF  }
0x6b: {  	_ =	shalt  }

</sc_bundles>
